<compile_context>
chip_gen: v7x
topology: tpu7x:2x2x1
jax: 0.10.2.dev20260603
libtpu: 0.0.44.dev20260713+nightly
codegen_flags: <defaults>
</compile_context>

<pallas_src>
import functools

import jax
import jax.numpy as jnp
from jax import lax
from jax.experimental import pallas as pl
from jax.experimental.pallas import tpu as pltpu
from jax.experimental.pallas import tpu_sc as plsc

SEQ = 200
EMDIM = 64
HIDDEN = 64
SLAB = 128
ROWS_PER_WORKER = 8
NUM_WORKERS = SEQ // ROWS_PER_WORKER

_info = plsc.get_sparse_core_info()
_NC = _info.num_cores
_NS = _info.num_subcores

def _bcast_lane(vec, lane):
    idx = jnp.full((16, 1), lane, jnp.int32)
    dn = lax.GatherDimensionNumbers(
        offset_dims=(), collapsed_slice_dims=(0,), start_index_map=(0,))
    return lax.gather(vec, idx, dn, (1,),
                      mode=lax.GatherScatterMode.PROMISE_IN_BOUNDS)


def _sc_body(sent_ref, table_ref, out_ref, idx_v, tiles_v, part_v, sem):
    wid = lax.axis_index("s") * _NC + lax.axis_index("c")

    @pl.when(wid < NUM_WORKERS)
    def _():
        base = wid * ROWS_PER_WORKER
        pltpu.sync_copy(sent_ref.at[pl.ds(base, ROWS_PER_WORKER)],
                        idx_v.at[pl.ds(0, ROWS_PER_WORKER)])
        idx = idx_v[...]
        lane_iota = lax.iota(jnp.int32, 16)
        valid = lane_iota < ROWS_PER_WORKER
        aligned = jnp.where(valid, idx & jnp.int32(~(SLAB - 1)), 0)
        cols = jnp.where(valid, idx & (SLAB - 1), 0)
        def _issue(r, carry):
            a_r = pl.multiple_of(
                jnp.max(jnp.where(lane_iota == r, aligned, 0)), SLAB)
            pltpu.async_copy(table_ref.at[:, pl.ds(a_r, SLAB)],
                             tiles_v.at[r], sem)
            return carry

        lax.fori_loop(0, ROWS_PER_WORKER, _issue, 0)

        def _drain(r, carry):
            pltpu.make_async_copy(table_ref.at[:, pl.ds(0, SLAB)],
                                  tiles_v.at[r], sem).wait()
            return carry

        lax.fori_loop(0, ROWS_PER_WORKER, _drain, 0)

        def _accum(r, accs):
            col_sel = _bcast_lane(cols, r)
            tile_sel = jnp.full((16,), r, jnp.int32)
            return tuple(
                accs[c] + plsc.load_gather(
                    tiles_v, [tile_sel, lane_iota + c * 16, col_sel])
                for c in range(EMDIM // 16))

        zeros = tuple(jnp.zeros((16,), jnp.float32)
                      for _ in range(EMDIM // 16))
        accs = lax.fori_loop(0, ROWS_PER_WORKER, _accum, zeros)
        for c in range(EMDIM // 16):
            part_v[pl.ds(c * 16, 16)] = accs[c]
        pltpu.sync_copy(part_v, out_ref.at[wid])


@functools.partial(
    pl.kernel,
    out_type=jax.ShapeDtypeStruct((NUM_WORKERS, EMDIM), jnp.float32),
    mesh=plsc.VectorSubcoreMesh(core_axis_name="c", subcore_axis_name="s"),
    scratch_types=[
        pltpu.VMEM((16,), jnp.int32),
        pltpu.VMEM((ROWS_PER_WORKER, EMDIM, SLAB), jnp.float32),
        pltpu.VMEM((EMDIM,), jnp.float32),
        pltpu.SemaphoreType.DMA,
    ],
    compiler_params=pltpu.CompilerParams(
        use_tc_tiling_on_sc=True, needs_layout_passes=False,
        disable_bounds_checks=True, skip_device_barrier=True),
)
def _sc_gather_sum(sent_ref, table_ref, out_ref, idx_v, tiles_v, part_v, sem):
    _sc_body(sent_ref, table_ref, out_ref, idx_v, tiles_v, part_v, sem)


def _tc_head(p_ref, w_ref, b_ref, o_ref):
    x = jnp.sum(p_ref[...], axis=0, keepdims=True) * (1.0 / SEQ)
    y = lax.dot_general(
        x, w_ref[...], (((1,), (1,)), ((), ())),
        preferred_element_type=jnp.float32,
    )
    o_ref[...] = jnp.tanh(y + b_ref[...])


def kernel(sentence, table, W, b):
    partials = _sc_gather_sum(sentence.astype(jnp.int32), table.T)
    out = pl.pallas_call(
        _tc_head,
        out_shape=jax.ShapeDtypeStruct((1, HIDDEN), jnp.float32),
        compiler_params=pltpu.CompilerParams(skip_device_barrier=True),
    )(partials, W, b.reshape(1, HIDDEN))
    return out

# --- scband reference (transcript-rebuilt; emitter-appended) ---
"""Pipeline reference for scband-encoder-26637387170140 (READ-ONLY COPY).

The authoritative reference and input builder live on the scoring server;
editing this copy changes nothing except your own understanding.
"""

import jax, jax.numpy as jnp
import numpy as np

VOCAB = 1000000
EMDIM = 64
HIDDEN = 64
SEQ = 200

def setup_inputs(seed: int = 0) -> dict:
    key = jax.random.key(seed)
    k1, k2, k3, k4 = jax.random.split(key, 4)
    sentence = jax.random.randint(k1, (SEQ,), 0, VOCAB)
    table = jax.random.normal(k2, (VOCAB, EMDIM), dtype=jnp.float32) * 0.02
    W = jax.random.normal(k3, (HIDDEN, EMDIM), dtype=jnp.float32) * (1.0 / np.sqrt(EMDIM))
    b = jnp.zeros((HIDDEN,), dtype=jnp.float32)
    return {"sentence": sentence, "table": table, "W": W, "b": b}

def reference(sentence, table, W, b):
    # combine_word_embeddings: per-word embedding lookup, stack, mean over words (keepdim)
    emb = jnp.take(table, sentence, axis=0)              # [SEQ, EMDIM]  (gather)
    x = jnp.mean(emb, axis=0, keepdims=True)             # [1, EMDIM]
    # fc1 + tanh
    out = jnp.tanh(x @ W.T + b)                          # [1, HIDDEN]
    return out

if __name__ == "__main__":
    import jax
    _d = setup_inputs()
    print(jax.jit(kernel)(*tuple(_d.values())))

</pallas_src>

<mosaic_0001>
#map = affine_map<(d0, d1) -> (0)>
#map1 = affine_map<(d0, d1) -> (0, 0)>
module attributes {stable_mosaic.version = 14 : i64} {
  func.func @_sc_gather_sum(%arg0: i32, %arg1: i32, %arg2: memref<200xi32, #tpu.memory_space<hbm>>, %arg3: memref<64x1000000xf32, #tpu.memory_space<hbm>>, %arg4: memref<25x64xf32, #tpu.memory_space<hbm>>, %arg5: memref<16xi32, #tpu.memory_space<vmem>>, %arg6: memref<8x64x128xf32, #tpu.memory_space<vmem>>, %arg7: memref<64xf32, #tpu.memory_space<vmem>>, %arg8: memref<!tpu.dma_semaphore, #tpu.memory_space<semaphore_mem>>) attributes {dimension_semantics = [#tpu.dimension_semantics<core_parallel>, #tpu.dimension_semantics<subcore_parallel>], iteration_bounds = array<i64: 2, 16>, scalar_prefetch = 0 : i64, scratch_operands = 4 : i64, tpu.core_type = #tpu.core_type<sc_vector_subcore>, window_params = [{transform_indices = #map}, {transform_indices = #map1}, {transform_indices = #map1}]} {
    %mul3A = arith.constant 2 : i32
    %mul3A_0 = arith.muli %arg1, %mul3A : i32
    %add3A = arith.addi %mul3A_0, %arg0 : i32
    %lt3A = arith.constant 25 : i32
    %lt3A_1 = arith.cmpi slt, %add3A, %lt3A : i32
    %convert_element_type3A = arith.extui %lt3A_1 : i1 to i32
    %cond3A = arith.constant 0 : i32
    %cond3A_2 = arith.cmpi ne, %convert_element_type3A, %cond3A : i32
    scf.if %cond3A_2 {
      %mul3A_3 = arith.constant 8 : i32
      %mul3A_4 = arith.muli %add3A, %mul3A_3 : i32
      "tpu.region"() ({
        %run_scoped3A = tpu.sem_alloc : memref<!tpu.dma_semaphore, #tpu.memory_space<semaphore_mem>>
        %dma_start3A = arith.constant 0 : i32
        %dma_start3A_49 = tpu.memref_slice %arg5[%dma_start3A] : memref<16xi32, #tpu.memory_space<vmem>> -> memref<8xi32, #tpu.memory_space<vmem>>
        %dma_start3A_50 = tpu.memref_slice %arg2[%mul3A_4] : memref<200xi32, #tpu.memory_space<hbm>> -> memref<8xi32, #tpu.memory_space<hbm>>
        %dma_start3A_51 = arith.constant 0 : i32
        %dma_start3A_52 = tpu.memref_slice %arg5[%dma_start3A_51] : memref<16xi32, #tpu.memory_space<vmem>> -> memref<8xi32, #tpu.memory_space<vmem>>
        %dma_start3A_53 = tpu.memref_slice %arg2[%mul3A_4] : memref<200xi32, #tpu.memory_space<hbm>> -> memref<8xi32, #tpu.memory_space<hbm>>
        tpu.enqueue_dma source(%dma_start3A_53 : memref<8xi32, #tpu.memory_space<hbm>>) target(%dma_start3A_52 : memref<8xi32, #tpu.memory_space<vmem>>) target_semaphore(%run_scoped3A : memref<!tpu.dma_semaphore, #tpu.memory_space<semaphore_mem>>)
        %dma_wait3A = arith.constant 0 : i32
        %dma_wait3A_54 = tpu.memref_slice %arg5[%dma_wait3A] : memref<16xi32, #tpu.memory_space<vmem>> -> memref<8xi32, #tpu.memory_space<vmem>>
        %dma_wait3A_55 = tpu.memref_slice %arg2[%mul3A_4] : memref<200xi32, #tpu.memory_space<hbm>> -> memref<8xi32, #tpu.memory_space<hbm>>
        %dma_wait3A_56 = arith.constant 0 : i32
        %dma_wait3A_57 = tpu.memref_slice %arg5[%dma_wait3A_56] : memref<16xi32, #tpu.memory_space<vmem>> -> memref<8xi32, #tpu.memory_space<vmem>>
        %dma_wait3A_58 = tpu.memref_slice %arg2[%mul3A_4] : memref<200xi32, #tpu.memory_space<hbm>> -> memref<8xi32, #tpu.memory_space<hbm>>
        tpu.wait_dma2 semaphore(%run_scoped3A : memref<!tpu.dma_semaphore, #tpu.memory_space<semaphore_mem>>) src(%dma_wait3A_58 : memref<8xi32, #tpu.memory_space<hbm>>) dst(%dma_wait3A_57 : memref<8xi32, #tpu.memory_space<vmem>>)
        tpu.yield
      }) : () -> ()
      %get3A = arith.constant 0 : index
      %get3A_5 = tpu.vector_load %arg5[%get3A] {strides = array<i32>} : memref<16xi32, #tpu.memory_space<vmem>>, vector<16xi32>,
      %iota3A = tpu.iota {dimensions = array<i32: 0>} : vector<16xi32>
      %lt3A_6 = arith.constant 8 : i32
      %lt3A_7 = vector.broadcast %lt3A_6 : i32 to vector<16xi32>
      %lt3A_8 = arith.cmpi slt, %iota3A, %lt3A_7 : vector<16xi32>
      %and3A = arith.constant -128 : i32
      %and3A_9 = vector.broadcast %and3A : i32 to vector<16xi32>
      %and3A_10 = arith.andi %get3A_5, %and3A_9 : vector<16xi32>
      %jit3A = arith.constant 0 : i32
      %broadcast_in_dim3A = vector.broadcast %jit3A : i32 to vector<16xi32>
      %select_n3A = arith.select %lt3A_8, %and3A_10, %broadcast_in_dim3A : vector<16xi1>, vector<16xi32>
      %and3A_11 = arith.constant 127 : i32
      %and3A_12 = vector.broadcast %and3A_11 : i32 to vector<16xi32>
      %and3A_13 = arith.andi %get3A_5, %and3A_12 : vector<16xi32>
      %jit3A_14 = arith.constant 0 : i32
      %broadcast_in_dim3A_15 = vector.broadcast %jit3A_14 : i32 to vector<16xi32>
      %select_n3A_16 = arith.select %lt3A_8, %and3A_13, %broadcast_in_dim3A_15 : vector<16xi1>, vector<16xi32>
      %scan3A = arith.constant 0 : i32
      %scan3A_17 = arith.constant 0 : i32
      %scan3A_18 = arith.constant 8 : i32
      %scan3A_19 = arith.addi %scan3A_17, %scan3A_18 : i32
      %scan3A_20 = arith.constant 1 : i32
      scf.for %scan3A_49 = %scan3A_17 to %scan3A_19 step %scan3A_20  : i32 {
        %eq3A = vector.broadcast %scan3A_49 : i32 to vector<16xi32>
        %eq3A_50 = arith.cmpi eq, %iota3A, %eq3A : vector<16xi32>
        %jit3A_51 = arith.constant 0 : i32
        %broadcast_in_dim3A_52 = vector.broadcast %jit3A_51 : i32 to vector<16xi32>
        %select_n3A_53 = arith.select %eq3A_50, %select_n3A, %broadcast_in_dim3A_52 : vector<16xi1>, vector<16xi32>
        %reduce_max3A = arith.constant true
        %reduce_max3A_54 = vector.broadcast %reduce_max3A : i1 to vector<16xi1>
        %reduce_max3A_55 = arith.constant -2147483648 : i32
        %reduce_max3A_56 = vector.broadcast %reduce_max3A_55 : i32 to vector<16xi32>
        %reduce_max3A_57 = arith.xori %select_n3A_53, %reduce_max3A_56 : vector<16xi32>
        %reduce_max3A_58 = tpu.scan <max>, %reduce_max3A_57 masked %reduce_max3A_54 : vector<16xi32>, vector<16xi1> -> vector<16xi32>
        %reduce_max3A_59 = arith.xori %reduce_max3A_58, %reduce_max3A_56 : vector<16xi32>
        %reduce_max3A_60 = vector.extract %reduce_max3A_59[15] : i32 from vector<16xi32>
        %multiple_of3A = tpu.assume_multiple %reduce_max3A_60, 128 : i32
        %dma_start3A = arith.constant 0 : i32
        %dma_start3A_61 = arith.constant 0 : i32
        %dma_start3A_62 = tpu.memref_slice %arg6[%scan3A_49, %dma_start3A, %dma_start3A_61] : memref<8x64x128xf32, #tpu.memory_space<vmem>> -> memref<1x64x128xf32, #tpu.memory_space<vmem>>
        %dma_start3A_63 = tpu.memref_squeeze %dma_start3A_62 : memref<1x64x128xf32, #tpu.memory_space<vmem>> -> memref<64x128xf32, #tpu.memory_space<vmem>>
        %dma_start3A_64 = arith.constant 0 : i32
        %dma_start3A_65 = tpu.memref_slice %arg3[%dma_start3A_64, %multiple_of3A] : memref<64x1000000xf32, #tpu.memory_space<hbm>> -> memref<64x128xf32, #tpu.memory_space<hbm>>
        %dma_start3A_66 = arith.constant 0 : i32
        %dma_start3A_67 = arith.constant 0 : i32
        %dma_start3A_68 = tpu.memref_slice %arg6[%scan3A_49, %dma_start3A_66, %dma_start3A_67] : memref<8x64x128xf32, #tpu.memory_space<vmem>> -> memref<1x64x128xf32, #tpu.memory_space<vmem>>
        %dma_start3A_69 = tpu.memref_squeeze %dma_start3A_68 : memref<1x64x128xf32, #tpu.memory_space<vmem>> -> memref<64x128xf32, #tpu.memory_space<vmem>>
        %dma_start3A_70 = arith.constant 0 : i32
        %dma_start3A_71 = tpu.memref_slice %arg3[%dma_start3A_70, %multiple_of3A] : memref<64x1000000xf32, #tpu.memory_space<hbm>> -> memref<64x128xf32, #tpu.memory_space<hbm>>
        tpu.enqueue_dma source(%dma_start3A_71 : memref<64x128xf32, #tpu.memory_space<hbm>>) target(%dma_start3A_69 : memref<64x128xf32, #tpu.memory_space<vmem>>) target_semaphore(%arg8 : memref<!tpu.dma_semaphore, #tpu.memory_space<semaphore_mem>>)
      }
      %scan3A_21 = arith.constant 8 : i32
      %scan3A_22 = arith.constant 0 : i32
      %scan3A_23 = arith.constant 0 : i32
      %scan3A_24 = arith.constant 8 : i32
      %scan3A_25 = arith.addi %scan3A_23, %scan3A_24 : i32
      %scan3A_26 = arith.constant 1 : i32
      scf.for %scan3A_49 = %scan3A_23 to %scan3A_25 step %scan3A_26  : i32 {
        %dma_wait3A = arith.constant 0 : i32
        %dma_wait3A_50 = arith.constant 0 : i32
        %dma_wait3A_51 = tpu.memref_slice %arg6[%scan3A_49, %dma_wait3A, %dma_wait3A_50] : memref<8x64x128xf32, #tpu.memory_space<vmem>> -> memref<1x64x128xf32, #tpu.memory_space<vmem>>
        %dma_wait3A_52 = tpu.memref_squeeze %dma_wait3A_51 : memref<1x64x128xf32, #tpu.memory_space<vmem>> -> memref<64x128xf32, #tpu.memory_space<vmem>>
        %dma_wait3A_53 = arith.constant 0 : i32
        %dma_wait3A_54 = arith.constant 0 : i32
        %dma_wait3A_55 = tpu.memref_slice %arg3[%dma_wait3A_53, %dma_wait3A_54] : memref<64x1000000xf32, #tpu.memory_space<hbm>> -> memref<64x128xf32, #tpu.memory_space<hbm>>
        %dma_wait3A_56 = arith.constant 0 : i32
        %dma_wait3A_57 = arith.constant 0 : i32
        %dma_wait3A_58 = tpu.memref_slice %arg6[%scan3A_49, %dma_wait3A_56, %dma_wait3A_57] : memref<8x64x128xf32, #tpu.memory_space<vmem>> -> memref<1x64x128xf32, #tpu.memory_space<vmem>>
        %dma_wait3A_59 = tpu.memref_squeeze %dma_wait3A_58 : memref<1x64x128xf32, #tpu.memory_space<vmem>> -> memref<64x128xf32, #tpu.memory_space<vmem>>
        %dma_wait3A_60 = arith.constant 0 : i32
        %dma_wait3A_61 = arith.constant 0 : i32
        %dma_wait3A_62 = tpu.memref_slice %arg3[%dma_wait3A_60, %dma_wait3A_61] : memref<64x1000000xf32, #tpu.memory_space<hbm>> -> memref<64x128xf32, #tpu.memory_space<hbm>>
        tpu.wait_dma2 semaphore(%arg8 : memref<!tpu.dma_semaphore, #tpu.memory_space<semaphore_mem>>) src(%dma_wait3A_62 : memref<64x128xf32, #tpu.memory_space<hbm>>) dst(%dma_wait3A_59 : memref<64x128xf32, #tpu.memory_space<vmem>>)
      }
      %scan3A_27 = arith.constant 8 : i32
      %broadcast_in_dim3A_28 = arith.constant 0.000000e+00 : f32
      %broadcast_in_dim3A_29 = vector.broadcast %broadcast_in_dim3A_28 : f32 to vector<16xf32>
      %broadcast_in_dim3A_30 = arith.constant 0.000000e+00 : f32
      %broadcast_in_dim3A_31 = vector.broadcast %broadcast_in_dim3A_30 : f32 to vector<16xf32>
      %broadcast_in_dim3A_32 = arith.constant 0.000000e+00 : f32
      %broadcast_in_dim3A_33 = vector.broadcast %broadcast_in_dim3A_32 : f32 to vector<16xf32>
      %broadcast_in_dim3A_34 = arith.constant 0.000000e+00 : f32
      %broadcast_in_dim3A_35 = vector.broadcast %broadcast_in_dim3A_34 : f32 to vector<16xf32>
      %scan3A_36 = arith.constant 0 : i32
      %scan3A_37 = arith.constant 8 : i32
      %scan3A_38 = arith.addi %scan3A_36, %scan3A_37 : i32
      %scan3A_39 = arith.constant 1 : i32
      %scan3A_40:4 = scf.for %scan3A_49 = %scan3A_36 to %scan3A_38 step %scan3A_39 iter_args(%scan3A_50 = %broadcast_in_dim3A_29, %scan3A_51 = %broadcast_in_dim3A_31, %scan3A_52 = %broadcast_in_dim3A_33, %scan3A_53 = %broadcast_in_dim3A_35) -> (vector<16xf32>, vector<16xf32>, vector<16xf32>, vector<16xf32>)  : i32 {
        %broadcast_in_dim3A_54 = vector.broadcast %scan3A_49 : i32 to vector<16x1xi32>
        %gather3A = vector.shape_cast %broadcast_in_dim3A_54 : vector<16x1xi32> to vector<16xi32>
        %gather3A_55 = tpu.dynamic_gather %select_n3A_16[%gather3A] in [0] : vector<16xi32>, vector<16xi32> -> vector<16xi32>
        %broadcast_in_dim3A_56 = vector.broadcast %scan3A_49 : i32 to vector<16xi32>
        %add3A_57 = arith.constant 0 : i32
        %add3A_58 = vector.broadcast %add3A_57 : i32 to vector<16xi32>
        %add3A_59 = arith.addi %iota3A, %add3A_58 : vector<16xi32>
        %gather3A_60 = tpu.vector_load_idx %arg6[%broadcast_in_dim3A_56, %add3A_59, %gather3A_55] : memref<8x64x128xf32, #tpu.memory_space<vmem>>[vector<16xi32>, vector<16xi32>, vector<16xi32>], vector<16xf32>,
        %add3A_61 = arith.addf %scan3A_50, %gather3A_60 : vector<16xf32>
        %add3A_62 = arith.constant 16 : i32
        %add3A_63 = vector.broadcast %add3A_62 : i32 to vector<16xi32>
        %add3A_64 = arith.addi %iota3A, %add3A_63 : vector<16xi32>
        %gather3A_65 = tpu.vector_load_idx %arg6[%broadcast_in_dim3A_56, %add3A_64, %gather3A_55] : memref<8x64x128xf32, #tpu.memory_space<vmem>>[vector<16xi32>, vector<16xi32>, vector<16xi32>], vector<16xf32>,
        %add3A_66 = arith.addf %scan3A_51, %gather3A_65 : vector<16xf32>
        %add3A_67 = arith.constant 32 : i32
        %add3A_68 = vector.broadcast %add3A_67 : i32 to vector<16xi32>
        %add3A_69 = arith.addi %iota3A, %add3A_68 : vector<16xi32>
        %gather3A_70 = tpu.vector_load_idx %arg6[%broadcast_in_dim3A_56, %add3A_69, %gather3A_55] : memref<8x64x128xf32, #tpu.memory_space<vmem>>[vector<16xi32>, vector<16xi32>, vector<16xi32>], vector<16xf32>,
        %add3A_71 = arith.addf %scan3A_52, %gather3A_70 : vector<16xf32>
        %add3A_72 = arith.constant 48 : i32
        %add3A_73 = vector.broadcast %add3A_72 : i32 to vector<16xi32>
        %add3A_74 = arith.addi %iota3A, %add3A_73 : vector<16xi32>
        %gather3A_75 = tpu.vector_load_idx %arg6[%broadcast_in_dim3A_56, %add3A_74, %gather3A_55] : memref<8x64x128xf32, #tpu.memory_space<vmem>>[vector<16xi32>, vector<16xi32>, vector<16xi32>], vector<16xf32>,
        %add3A_76 = arith.addf %scan3A_53, %gather3A_75 : vector<16xf32>
        scf.yield %add3A_61, %add3A_66, %add3A_71, %add3A_76 : vector<16xf32>, vector<16xf32>, vector<16xf32>, vector<16xf32>
      }
      %scan3A_41 = arith.constant 8 : i32
      %swap3A = arith.constant 0 : index
      %swap3A_42 = tpu.vector_load %arg7[%swap3A] {strides = array<i32>} : memref<64xf32, #tpu.memory_space<vmem>>, vector<16xf32>,
      tpu.vector_store %arg7[%swap3A], %scan3A_40#0 {strides = array<i32>} : memref<64xf32, #tpu.memory_space<vmem>>, vector<16xf32>,
      %swap3A_43 = arith.constant 16 : index
      %swap3A_44 = tpu.vector_load %arg7[%swap3A_43] {strides = array<i32>} : memref<64xf32, #tpu.memory_space<vmem>>, vector<16xf32>,
      tpu.vector_store %arg7[%swap3A_43], %scan3A_40#1 {strides = array<i32>} : memref<64xf32, #tpu.memory_space<vmem>>, vector<16xf32>,
      %swap3A_45 = arith.constant 32 : index
      %swap3A_46 = tpu.vector_load %arg7[%swap3A_45] {strides = array<i32>} : memref<64xf32, #tpu.memory_space<vmem>>, vector<16xf32>,
      tpu.vector_store %arg7[%swap3A_45], %scan3A_40#2 {strides = array<i32>} : memref<64xf32, #tpu.memory_space<vmem>>, vector<16xf32>,
      %swap3A_47 = arith.constant 48 : index
      %swap3A_48 = tpu.vector_load %arg7[%swap3A_47] {strides = array<i32>} : memref<64xf32, #tpu.memory_space<vmem>>, vector<16xf32>,
      tpu.vector_store %arg7[%swap3A_47], %scan3A_40#3 {strides = array<i32>} : memref<64xf32, #tpu.memory_space<vmem>>, vector<16xf32>,
      "tpu.region"() ({
        %run_scoped3A = tpu.sem_alloc : memref<!tpu.dma_semaphore, #tpu.memory_space<semaphore_mem>>
        %dma_start3A = arith.constant 0 : i32
        %dma_start3A_49 = tpu.memref_slice %arg4[%add3A, %dma_start3A] : memref<25x64xf32, #tpu.memory_space<hbm>> -> memref<1x64xf32, #tpu.memory_space<hbm>>
        %dma_start3A_50 = tpu.memref_squeeze %dma_start3A_49 : memref<1x64xf32, #tpu.memory_space<hbm>> -> memref<64xf32, #tpu.memory_space<hbm>>
        %dma_start3A_51 = arith.constant 0 : i32
        %dma_start3A_52 = tpu.memref_slice %arg4[%add3A, %dma_start3A_51] : memref<25x64xf32, #tpu.memory_space<hbm>> -> memref<1x64xf32, #tpu.memory_space<hbm>>
        %dma_start3A_53 = tpu.memref_squeeze %dma_start3A_52 : memref<1x64xf32, #tpu.memory_space<hbm>> -> memref<64xf32, #tpu.memory_space<hbm>>
        tpu.enqueue_dma source(%arg7 : memref<64xf32, #tpu.memory_space<vmem>>) target(%dma_start3A_53 : memref<64xf32, #tpu.memory_space<hbm>>) target_semaphore(%run_scoped3A : memref<!tpu.dma_semaphore, #tpu.memory_space<semaphore_mem>>)
        %dma_wait3A = arith.constant 0 : i32
        %dma_wait3A_54 = tpu.memref_slice %arg4[%add3A, %dma_wait3A] : memref<25x64xf32, #tpu.memory_space<hbm>> -> memref<1x64xf32, #tpu.memory_space<hbm>>
        %dma_wait3A_55 = tpu.memref_squeeze %dma_wait3A_54 : memref<1x64xf32, #tpu.memory_space<hbm>> -> memref<64xf32, #tpu.memory_space<hbm>>
        %dma_wait3A_56 = arith.constant 0 : i32
        %dma_wait3A_57 = tpu.memref_slice %arg4[%add3A, %dma_wait3A_56] : memref<25x64xf32, #tpu.memory_space<hbm>> -> memref<1x64xf32, #tpu.memory_space<hbm>>
        %dma_wait3A_58 = tpu.memref_squeeze %dma_wait3A_57 : memref<1x64xf32, #tpu.memory_space<hbm>> -> memref<64xf32, #tpu.memory_space<hbm>>
        tpu.wait_dma2 semaphore(%run_scoped3A : memref<!tpu.dma_semaphore, #tpu.memory_space<semaphore_mem>>) src(%arg7 : memref<64xf32, #tpu.memory_space<vmem>>) dst(%dma_wait3A_58 : memref<64xf32, #tpu.memory_space<hbm>>)
        tpu.yield
      }) : () -> ()
    } else {
    }
    return
  }
}

module attributes {stable_mosaic.version = 14 : i64} {
  func.func @_tc_head(%arg0: memref<25x64xf32, #tpu.memory_space<vmem>>, %arg1: memref<64x64xf32, #tpu.memory_space<vmem>>, %arg2: memref<1x64xf32, #tpu.memory_space<vmem>>, %arg3: memref<1x64xf32, #tpu.memory_space<vmem>>) attributes {dimension_semantics = [], scalar_prefetch = 0 : i64, scratch_operands = 0 : i64, tpu.core_type = #tpu.core_type<tc>} {
    %get3A = arith.constant 0 : index
    %get3A_0 = arith.constant 0 : index
    %get3A_1 = vector.load %arg0[%get3A, %get3A_0] : memref<25x64xf32, #tpu.memory_space<vmem>>, vector<25x64xf32>
    %reduce_sum3A = arith.constant dense<0.000000e+00> : vector<64xf32>
    %reduce_sum3A_2 = vector.multi_reduction <add>, %get3A_1, %reduce_sum3A [0] : vector<25x64xf32> to vector<64xf32>
    %broadcast_in_dim3A = vector.shape_cast %reduce_sum3A_2 : vector<64xf32> to vector<1x64xf32>
    %mul3A = arith.constant 5.000000e-03 : f32
    %mul3A_3 = vector.broadcast %mul3A : f32 to vector<1x64xf32>
    %mul3A_4 = arith.mulf %broadcast_in_dim3A, %mul3A_3 : vector<1x64xf32>
    %get3A_5 = arith.constant 0 : index
    %get3A_6 = arith.constant 0 : index
    %get3A_7 = vector.load %arg1[%get3A_5, %get3A_6] : memref<64x64xf32, #tpu.memory_space<vmem>>, vector<64x64xf32>
    %dot_general3A = arith.constant dense<0.000000e+00> : vector<1x64xf32>
    %dot_general3A_8 = tpu.matmul %mul3A_4, %get3A_7, %dot_general3A {dimension_numbers = #tpu.dot_dimension_numbers<[1], [1], [0], [0], [0, 0, 1, 0], [], []>, transpose_lhs_hint = false} : vector<1x64xf32>, vector<64x64xf32>, vector<1x64xf32> -> vector<1x64xf32>
    %get3A_9 = arith.constant 0 : index
    %get3A_10 = arith.constant 0 : index
    %get3A_11 = vector.load %arg2[%get3A_9, %get3A_10] : memref<1x64xf32, #tpu.memory_space<vmem>>, vector<1x64xf32>
    %add3A = arith.addf %dot_general3A_8, %get3A_11 : vector<1x64xf32>
    %tanh3A = math.tanh %add3A : vector<1x64xf32>
    %swap3A = arith.constant 0 : index
    %swap3A_12 = arith.constant 0 : index
    %swap3A_13 = vector.load %arg3[%swap3A, %swap3A_12] : memref<1x64xf32, #tpu.memory_space<vmem>>, vector<1x64xf32>
    tpu.vector_store %arg3[%swap3A, %swap3A_12], %tanh3A {strides = array<i32>} : memref<1x64xf32, #tpu.memory_space<vmem>>, vector<1x64xf32>,
    return
  }
}

</mosaic_0001>

<sc_bundles>
// kernel: kernel.4.cloned.1.call-start
scs
__scs_entry_jumppad:
0x0: {  	(pc) =	sbr.rel $0x88, $3  }
0x1: {  	(tag) =	ssettag $0x0;
	lr =	simm.s32 $0x1  }
0x2: {  	[smem:$0x3F9D] =	sst lr;
	_ =	strace $0xD0000000  }
0x3: {  	_ = 	snop  }
0x4: {  	_ = 	snop  }
0x5: {  	_ = 	snop  }
0x6: {  	_ = 	snop  }
0x7: {  	_ = 	snop  }
__scs_overlays_trampoline_lowered:
0x8: {  	[smem:$0x3FAC] =	sst s0  }
0x9: {  	[smem:$0x3FAD] =	sst s1  }
0xa: {  	[smem:$0x3FAE] =	sst s2  }
0xb: {  	[smem:$0x3FAF] =	sst s3  }
0xc: {  	[smem:$0x3FB0] =	sst s4  }
0xd: {  	[smem:$0x3FB1] =	sst s5  }
0xe: {  	[smem:$0x3FB2] =	sst s6  }
0xf: {  	[smem:$0x3FB3] =	sst s7  }
0x10: {  	[smem:$0x3FB4] =	sst s8  }
0x11: {  	[smem:$0x3FB5] =	sst s9;
	s0 =	simm.s32 @!p0 $0x0  }
0x12: {  	s1 =	sld [smem:$0x3F9B];
	s0 =	simm.s32 @p0 $0x1  }
0x13: {  	[smem:$0x3FB6] =	sst s0;
	s0 =	simm.s32 @!p1 $0x0  }
0x14: {  	s2 =	sld [smem:$0x3F9A];
	s0 =	simm.s32 @p1 $0x1  }
0x15: {  	[smem:$0x3FB7] =	sst s0;
	s0 =	simm.s32 @!p2 $0x0  }
0x16: {  	s3 =	sld [smem:$0x3FDB];
	s0 =	simm.s32 @p2 $0x1  }
0x17: {  	s4 =	simm.s32 $0x1BF5;
	[smem:$0x3FB9] =	sst s0  }
0x18: {  	s0 =	sld [smem:$0x3F9C];
	_ =	swait.ge [sflag:s4], $0x0  }
0x19: {  	s7 =	sld [smem:$0x3F9D]  }
0x1a: {  	s8 =	sadd.s32 $0xFFFFE003, lr  }
0x1b: {  	s9 =	sadd.s32 $0xFFFFFEF7, lr;
	s5 =	simm.s32 $0xFFFFFFFF;
	p2 =	slt.u32 s8, $0xFFFFF086  }
0x1c: {  	p1 =	slt.u32 s9, $0xF7A;
	s5 =	simm.s32 @!p2 $0x0  }
0x1d: {  	s5 =	simm.s32 @p1 $0x1;
	p0 =	seq.s32 s7, s2  }
0x1e: {  	s7 =	smul.u32 @!p0 $0xF7A, s2;
	p2 =	seq.s32 @!p0 s5, $0x0  }
0x1f: {  	s9 =	smul.u32 $0xF7A, s1;
	s8 =	simm.s32 @!p0 $0x1BF5;
	p2 =	por !p2, p0  }
0x20: {  	[sflag:s8] =	ssyncset.s32 @!p0 $0xFFFFF086;
	s6 =	sadd.s32 @!p0 s3, s7;
	s7 =	simm.s32 @!p0 $0x108  }
0x21: {  	s3 =	sadd.s32 s3, s9;
	s6 =	sadd.s32 @!p0 $0x88, s6;
	s7 =	simm.s32 @p2 $0x1082  }
0x22: {  	[simem:s7], [sflag:s8] =	dma.local @!p0 [hbm:s6], $0xF7A  }
0x23: {  	s9 =	sor.u32 $0xD0000000, s2;
	s6 =	simm.s32 $0x108;
	_ =	swait.ge @!p0 [sflag:s8], $0x0  }
0x24: {  	s3 =	sadd.s32 $0x88, s3;
	s6 =	simm.s32 @!p1 $0x1082;
	[sflag:s4] =	ssyncset.s32 $0xFFFFF086  }
0x25: {  	[simem:s6], [sflag:s4] =	dma.local [hbm:s3], $0xF7A  }
0x26: {  	[smem:$0x3F9D] =	sst s1;
	(tag) =	ssettag s2;
	_ =	strace s9  }
0x27: {  	s1 =	sld [smem:$0x3FAD]  }
0x28: {  	s2 =	sld [smem:$0x3FAE]  }
0x29: {  	s4 =	sld [smem:$0x3FB0]  }
0x2a: {  	p0 =	seq.s32 s5, $0x0;
	s5 =	sld [smem:$0x3FB1]  }
0x2b: {  	s6 =	sld [smem:$0x3FB2]  }
0x2c: {  	s7 =	sld [smem:$0x3FB3]  }
0x2d: {  	s3 =	simm.s32 $0x108;
	s8 =	sld [smem:$0x3FB4]  }
0x2e: {  	s3 =	simm.s32 @!p0 $0x1082;
	s9 =	sld [smem:$0x3FB5]  }
0x2f: {  	lr =	sadd.s32 s0, s3;
	s0 =	sld [smem:$0x3FAC]  }
0x30: {  	s3 =	sld [smem:$0x3FAF]  }
0x31: {  	[smem:$0x3FB8] =	sst s10  }
0x32: {  	s10 =	sld [smem:$0x3FB6];
	_ =	sdelay $0x3  }
0x33: {  	p0 =	seq.s32 s10, $0x1;
	s10 =	sld [smem:$0x3FB8];
	_ =	sdelay $0x3  }
0x34: {  	[smem:$0x3FB8] =	sst s10  }
0x35: {  	s10 =	sld [smem:$0x3FB7];
	_ =	sdelay $0x3  }
0x36: {  	p1 =	seq.s32 s10, $0x1;
	s10 =	sld [smem:$0x3FB8];
	_ =	sdelay $0x3  }
0x37: {  	[smem:$0x3FB8] =	sst s10  }
0x38: {  	s10 =	sld [smem:$0x3FB9]  }
0x39: {  	_ = 	snop;
	(pc) =	sbr.ind lr, $3  }
0x3a: {  	_ = 	snop  }
0x3b: {  	_ = 	snop  }
0x3c: {  	p2 =	seq.s32 s10, $0x1;
	s10 =	sld [smem:$0x3FB8]  }
0x3d: {  	_ =	shalt  }
0x3e: {  	_ =	shalt  }
0x3f: {  	_ =	shalt  }
0x40: {  	_ =	shalt  }
0x41: {  	_ =	shalt  }
0x42: {  	_ =	shalt  }
0x43: {  	_ =	shalt  }
0x44: {  	_ =	shalt  }
0x45: {  	_ =	shalt  }
0x46: {  	_ =	shalt  }
0x47: {  	_ =	shalt  }
0x48: {  	_ =	shalt  }
0x49: {  	_ =	shalt  }
0x4a: {  	_ =	shalt  }
0x4b: {  	_ =	shalt  }
0x4c: {  	_ =	shalt  }
0x4d: {  	_ =	shalt  }
0x4e: {  	_ =	shalt  }
0x4f: {  	_ =	shalt  }
0x50: {  	_ =	shalt  }
0x51: {  	_ =	shalt  }
0x52: {  	_ =	shalt  }
0x53: {  	_ =	shalt  }
0x54: {  	_ =	shalt  }
0x55: {  	_ =	shalt  }
0x56: {  	_ =	shalt  }
0x57: {  	_ =	shalt  }
0x58: {  	_ =	shalt  }
0x59: {  	_ =	shalt  }
0x5a: {  	_ =	shalt  }
0x5b: {  	_ =	shalt  }
0x5c: {  	_ =	shalt  }
0x5d: {  	_ =	shalt  }
0x5e: {  	_ =	shalt  }
0x5f: {  	_ =	shalt  }
0x60: {  	_ =	shalt  }
0x61: {  	_ =	shalt  }
0x62: {  	_ =	shalt  }
0x63: {  	_ =	shalt  }
0x64: {  	_ =	shalt  }
0x65: {  	_ =	shalt  }
0x66: {  	_ =	shalt  }
0x67: {  	_ =	shalt  }
0x68: {  	_ =	shalt  }
0x69: {  	_ =	shalt  }
0x6a: {  	_ =	shalt  }
0x6b: {  	_ =	shalt  }
0x6c: {  	_ =	shalt  }
0x6d: {  	_ =	shalt  }
0x6e: {  	_ =	shalt  }
0x6f: {  	_ =	shalt  }
0x70: {  	_ =	shalt  }
0x71: {  	_ =	shalt  }
0x72: {  	_ =	shalt  }
0x73: {  	_ =	shalt  }
0x74: {  	_ =	shalt  }
0x75: {  	_ =	shalt  }
0x76: {  	_ =	shalt  }
0x77: {  	_ =	shalt  }
0x78: {  	_ =	shalt  }
0x79: {  	_ =	shalt  }
0x7a: {  	_ =	shalt  }
0x7b: {  	_ =	shalt  }
0x7c: {  	_ =	shalt  }
0x7d: {  	_ =	shalt  }
0x7e: {  	_ =	shalt  }
0x7f: {  	_ =	shalt  }
0x80: {  	_ =	shalt  }
0x81: {  	_ =	shalt  }
0x82: {  	_ =	shalt  }
0x83: {  	_ =	shalt  }
0x84: {  	_ =	shalt  }
0x85: {  	_ =	shalt  }
0x86: {  	_ =	shalt  }
0x87: {  	_ =	shalt  }
.Lfunc_end0:
.L_simem_size_0:
called_computation_lowered:
.L_overlay_start_0:
0x88: {  	s2 =	sld [smem:$0x3FD9]  }
0x89: {  	s3 =	sld [smem:$0x3FFE];
	_ =	sdelay $0x1  }
0x8a: {  	s1 =	srdreg.scid  }
0x8b: {  	s0 =	sand.u32 $0x1, s1  }
0x8c: {  	s17 =	sshll.u32 s0, $0xA;
	s2 =	sadd.s32 s3, s2  }
0x8d: {  	s2 =	sadd.s32 s2, s17  }
0x8e: {  	[smem:$0x3FC4] =	sst s2  }
0x8f: {  	_ = 	snop  }
0x90: {  	s2 =	sld [smem:$0x3FC9]  }
0x91: {  	s18 =	sld [smem:$0x3FC8];
	(tm) =	ssettm $0x1  }
0x92: {  	s4 =	sld [smem:$0x3FFB];
	_ =	sdelay $0x3  }
0x93: {  	_ =	strace s4  }
0x94: {  	s4 =	sld [smem:$0x3FFC];
	_ =	sdelay $0x3  }
0x95: {  	_ =	strace s4  }
0x96: {  	s4 =	sld [smem:$0x3FFD];
	_ =	sdelay $0x3  }
0x97: {  	_ =	strace s4  }
0x98: {  	_ =	strace $0x8FFFFFFF  }
0x99: {  	s19 =	sld [smem:$0x3FDB];
	_ =	sdelay $0x1  }
0x9a: {  	s5 =	simm.s32 $_scs_section_size  }
0x9b: {  	s6 =	simm.s32 $_size__tile_overlayer_lowered;
	s7 =	simm.s32 $_tile_overlayer_lowered  }
0x9c: {  	s22 =	simm.s32 $0x1BFF;
	s21 =	sshll.u32 s7, $0x1;
	s4 =	sadd.s32 s5, s19  }
0x9d: {  	s8 =	simm.s32 $0x0;
	s20 =	sshll.u32 s6, $0x1;
	s6 =	sadd.s32 s21, s4  }
0x9e: {  	[timem:s8], [sflag:s22] =	dma.local [hbm:s6], s20  }
0x9f: {  	_ =	swait.ge [sflag:s22], s20  }
0xa0: {  	s5 =	ssub.s32 $0x0, s20;
	[sflag:s22] =	ssyncset.done $0x0  }
0xa1: {  	[sflag:s22] =	ssyncadd.s32 s5;
	_ =	sdelay $0x1  }
0xa2: {  	s23 =	simm.s32 $0x1B8B  }
0xa3: {  	_ =	swait.ge [sflag:s23], $0x1  }
0xa4: {  	[sflag:s23] =	ssyncset.done $0x0  }
0xa5: {  	s25 =	simm.s32 $0x1B8E;
	s24 =	sld [smem:$0x3FFE];
	[sflag:s23] =	ssyncadd.s32 $0xFFFFFFFF  }
0xa6: {  	s26 =	simm.s32 $execute0_lowered;
	[smem:$0x3FD2] =	sst s25  }
0xa7: {  	s6 =	sshll.u32 s26, $0x1;
	_ =	strace $0x80000046;
	[dreg:$0x1] =	wrdreg $0xFFFFFFFF  }
0xa8: {  	s28 =	simm.s32 $_size_execute0_lowered;
	s4 =	sadd.s32 s4, s6;
	[dreg:$0x0] =	wrdreg $0x0  }
0xa9: {  	s6 =	sshll.u32 s28, $0x1;
	[dreg:$0x2] =	wrdreg s4  }
0xaa: {  	[dreg:$0x3] =	wrdreg s6  }
0xab: {  	[dreg:$0x4] =	wrdreg $0xC0  }
0xac: {  	_ =	task [dreg:s8], $0x5FFFF  }
0xad: {  	[dreg:$0x1] =	wrdreg $0xFFFFFFFF  }
0xae: {  	[dreg:$0x0] =	wrdreg $0x60  }
0xaf: {  	[dreg:$0x2] =	wrdreg s2  }
0xb0: {  	[dreg:$0x3] =	wrdreg s18  }
0xb1: {  	[dreg:$0x4] =	wrdreg s24  }
0xb2: {  	[dreg:$0x5] =	wrdreg $0x9  }
0xb3: {  	_ =	task.clear_ibuf [dreg:s8], $0x6FFFF;
	_ =	strace $0x90000046  }
0xb4: {  	s29 =	simm.s32 $0x9;
	_ =	strace $0x80000048  }
0xb5: {  	_ =	swait.ge [sflag:s29], $0x1  }
0xb6: {  	[sflag:s29] =	ssyncadd.s32 $0xFFFFFFFF  }
0xb7: {  	_ =	strace $0x90000048  }
0xb8: {  	_ =	sfence  }
0xb9: {  	s30 =	sld [smem:$0x0];
	_ =	sdelay $0x2  }
0xba: {  	s31 =	sshll.u32 s1, $0xD;
	s1 =	sshrl.u32 s1, $0x2  }
0xbb: {  	s3 =	sand.u32 $0x4000, s31;
	s1 =	sadd.s32 s1, s30  }
0xbc: {  	s0 =	sor.u32 s3, s0;
	s1 =	sshll.u32 s1, $0x11  }
0xbd: {  	s0 =	sor.u32 s1, s0  }
0xbe: {  	s0 =	sadd.s32 $0x8F2B, s0  }
0xbf: {  	[sflag:s0] =	ssyncadd.remote.s32 $0x1  }
0xc0: {  	_ =	sfence.sel $0xFFFF  }
0xc1: {  	[dreg:$0x0] =	wrdreg $0xFFFFFFFF;
	(pc) =	sbr.abs _section_cstart, $3  }
0xc2: {  	[dreg:$0x1] =	wrdreg $0xFFFFFFFF  }
0xc3: {  	_ =	task.clear_ibuf [dreg:s8], $0x2FFFF;
	_ =	strace $0x9FFFFFFF  }
0xc4: {  	(tm) =	ssettm $0x7FFFFFFF  }
0xc5: {  	_ =	shalt  }
tec
execute0_lowered:
.L_overlay_start_1:
0x0: {  	(tag) =	ssettag $0x1  }
0x1: {  	s1 =	srdreg.scid;
	s0 =	stileid.u32  }
0x2: {  	s7 =	sand.u32 $0x1, s1;
	s6 =	sshll.u32 s0, $0x1  }
0x3: {  	s6 =	sor.u32 s7, s6  }
0x4: {  	p0 =	sgt.u32 s6, $0x18  }
.Ltmp0:
0x5: {  	s5 =	rddreg [dreg:$0x0];
	(pc) =	sbr.rel @p0 .LBB2_7-.Ltmp0, $4  }
0x6: {  	s2 =	rddreg [dreg:$0x1]  }
0x7: {  	s4 =	rddreg [dreg:$0x2];
	s3 =	simm.s32 $0x0  }
0x8: {  	[smem:$0x7FF] =	sst s3  }
0x9: {  	s1 =	rddreg [dreg:$0x3];
	_ =	strace $0x80000047  }
0xa: {  	s8 =	sshll.u32 s6, $0x4;
	s7 =	ssub.s32 $0x2, s7;
	s5 =	sadd.s32 s5, s6  }
0xb: {  	v0 =	vlaneseq.u32;
	s9 =	simm.s32 $0x7A1400;
	s10 =	simm.s32 $0x1;
	s11 =	simm.s32 $0x80  }
0xc: {  	s12 =	simm.s32 $0x10080;
	s13 =	simm.s32 $0x0;
	s31 =	sshrl.u32 s7, $0x1;
	v1 =	vmul.u32 $0x80, v0  }
0xd: {  	vm0 =	vmmov $0xff;
	s4 =	sadd.s32 s8, s4;
	s8 =	simm.s32 $0x400;
	s7 =	ssub.s32 s7, s31  }
0xe: {  	s4 =	sadd.s32 $0xA00, s4;
	s6 =	smax.u32 s7, $0x1;
	s7 =	simm.s32 $0x2;
	v2 =	vor.u32 $0x800, v1;
	v3 =	vor.u32 $0x1000, v1;
	v4 =	vor.u32 $0x1800, v1  }
.LBB2_2:
0xf: {  	s14 =	simm.s32 $0x0  }
0x10: {  	[tilespmem:s14], [sflag:$0x2] =	stream.linear.gather [hbm4b:s5+s14], $0x8, $0x38;
	[tilespmem:$0x10100] =	vst v63  }
0x11: {  	_ =	swait.ge [sflag:s7], $0x8  }
0x12: {  	[sflag:s7] =	ssyncset.done $0x0  }
0x13: {  	[sflag:s7] =	ssyncadd.s32 $0xFFFFFFF8  }
0x14: {  	v5 =	vld [tilespmem:$0x0];
	_ =	sdelay $0x4  }
0x15: {  	v6 =	vand.u32 $0xFFFFFF80, v5  }
0x16: {  	v7 =	vmov s14;
	v6 =	vnsel vm0, $0x0, v6  }
0x17: {  	vm1 =	veq.s32 v7, v0;
	v6 =	vxor.u32 $0x80000000, v6  }
0x18: {  	v7 =	vnsel vm1, $0x80000000, v6  }
0x19: {  	(xrf0) =	vmax.scan.msk.u32 $0xffff, v7;
	_ =	sdelay $0x5  }
0x1a: {  	v7, _, _ =	vpop (xrf0)  }
0x1b: {  	(v2sf) =	vpush v7, $0xF;
	_ =	sdelay $0x1  }
0x1c: {  	s28 =	simm.s32 $0x1  }
0x1d: {  	v7 =	vmov s28  }
0x1e: {  	s29 =	simm.s32 $0x2;
	vm1 =	veq.s32 v7, v0  }
0x1f: {  	s30 =	simm.s32 $0x3;
	v7 =	vmov s29;
	v8 =	vnsel vm1, $0x80000000, v6  }
0x20: {  	vm1 =	veq.s32 v7, v0;
	v7 =	vmov s30;
	(xrf0) =	vmax.scan.msk.u32 $0xffff, v8  }
0x21: {  	v8 =	vnsel vm1, $0x80000000, v6;
	vm1 =	veq.s32 v7, v0  }
0x22: {  	(xrf0) =	vmax.scan.msk.u32 $0xffff, v8;
	v7 =	vnsel vm1, $0x80000000, v6  }
0x23: {  	(xrf0) =	vmax.scan.msk.u32 $0xffff, v7;
	_ =	sdelay $0x1  }
0x24: {  	s15 =	simm.s32 $0x4  }
0x25: {  	v8 =	vmov s15;
	v7, _, _ =	vpop (xrf0)  }
0x26: {  	(v2sf) =	vpush v7, $0xF  }
0x27: {  	v7, _, _ =	vpop (xrf0)  }
0x28: {  	vm1 =	veq.s32 v8, v0;
	v8, _, _ =	vpop (xrf0);
	s31 =	spop (v2sf);
	(v2sf) =	vpush v7, $0xF  }
0x29: {  	(v2sf) =	vpush v8, $0xF;
	_ =	sdelay $0x5  }
0x2a: {  	s14 =	sand.u32 $0x1FFFFF80, s31  }
0x2b: {  	s14 =	sadd.s32 s2, s14  }
0x2c: {  	v7 =	vnsel vm1, $0x80000000, v6;
	[tilespmem:s11], [sflag:$0x1] =	stream.strided.gather [hbm4b:s14+s8], $0x2000, s9, s8, $0x38;
	[tilespmem:$0x10100] =	vst v63  }
0x2d: {  	s15 =	simm.s32 $0x5;
	(xrf0) =	vmax.scan.msk.u32 $0xffff, v7;
	s14 =	simm.s32 $0x80  }
.LBB2_3:
0x2e: {  	p0 =	sne.s32 s15, $0x7  }
.Ltmp1:
0x2f: {  	v7 =	vmov s15;
	s15 =	sadd.s32 $0x1, s15;
	(pc) =	sbr.rel @p0 .LBB2_3-.Ltmp1, $4  }
0x30: {  	vm1 =	veq.s32 v7, v0;
	s16 =	spop (v2sf)  }
0x31: {  	v8 =	vnsel vm1, $0x80000000, v6;
	s16 =	sand.u32 $0x1FFFFF80, s16  }
0x32: {  	s14 =	sadd.s32 $0x2000, s14;
	(xrf0) =	vmax.scan.msk.u32 $0xffff, v8;
	s16 =	sadd.s32 s2, s16;
	v7, _, _ =	vpop (xrf0)  }
0x33: {  	(v2sf) =	vpush v7, $0xF;
	[tilespmem:s14], [sflag:$0x1] =	stream.strided.gather [hbm4b:s16+s8], $0x2000, s9, s8, $0x38;
	[tilespmem:$0x10100] =	vst v63  }
0x34: {  	_ =	sdelay $0x3  }
0x35: {  	v6, _, _ =	vpop (xrf0)  }
0x36: {  	(v2sf) =	vpush v6, $0xF;
	_ =	sdelay $0x3  }
0x37: {  	s15 =	spop (v2sf)  }
0x38: {  	s15 =	sand.u32 $0x1FFFFF80, s15  }
0x39: {  	s14 =	sadd.s32 $0x2000, s14;
	s25 =	spop (v2sf);
	s15 =	sadd.s32 s2, s15  }
0x3a: {  	[tilespmem:s14], [sflag:$0x1] =	stream.strided.gather [hbm4b:s15+s8], $0x2000, s9, s8, $0x38;
	[tilespmem:$0x10100] =	vst v63  }
0x3b: {  	s15 =	sand.u32 $0x1FFFFF80, s25  }
0x3c: {  	s14 =	sadd.s32 $0x2000, s14;
	s15 =	sadd.s32 s2, s15  }
0x3d: {  	[tilespmem:s14], [sflag:$0x1] =	stream.strided.gather [hbm4b:s15+s8], $0x2000, s9, s8, $0x38;
	[tilespmem:$0x10100] =	vst v63  }
0x3e: {  	s26 =	spop (v2sf)  }
0x3f: {  	s15 =	sand.u32 $0x1FFFFF80, s26  }
0x40: {  	s14 =	sadd.s32 $0x2000, s14;
	s15 =	sadd.s32 s2, s15  }
0x41: {  	[tilespmem:s14], [sflag:$0x1] =	stream.strided.gather [hbm4b:s15+s8], $0x2000, s9, s8, $0x38;
	[tilespmem:$0x10100] =	vst v63  }
0x42: {  	s28 =	spop (v2sf)  }
0x43: {  	s15 =	sand.u32 $0x1FFFFF80, s28  }
0x44: {  	s14 =	sadd.s32 $0x2000, s14;
	s15 =	sadd.s32 s2, s15  }
0x45: {  	[tilespmem:s14], [sflag:$0x1] =	stream.strided.gather [hbm4b:s15+s8], $0x2000, s9, s8, $0x38;
	[tilespmem:$0x10100] =	vst v63  }
0x46: {  	_ =	swait.ge [sflag:s10], $0x2000  }
0x47: {  	[sflag:s10] =	ssyncset.done $0x0  }
0x48: {  	[sflag:s10] =	ssyncadd.s32 $0xFFFFE000  }
0x49: {  	_ =	swait.ge [sflag:s10], $0x2000  }
0x4a: {  	[sflag:s10] =	ssyncset.done $0x0  }
0x4b: {  	[sflag:s10] =	ssyncadd.s32 $0xFFFFE000  }
0x4c: {  	_ =	swait.ge [sflag:s10], $0x2000  }
0x4d: {  	[sflag:s10] =	ssyncset.done $0x0  }
0x4e: {  	[sflag:s10] =	ssyncadd.s32 $0xFFFFE000  }
0x4f: {  	_ =	swait.ge [sflag:s10], $0x2000  }
0x50: {  	[sflag:s10] =	ssyncset.done $0x0  }
0x51: {  	[sflag:s10] =	ssyncadd.s32 $0xFFFFE000  }
0x52: {  	v5 =	vand.u32 $0x7F, v5;
	s29 =	simm.s32 $0x0;
	_ =	swait.ge [sflag:s10], $0x2000  }
0x53: {  	v5 =	vnsel vm0, $0x0, v5;
	v6 =	vmov s29;
	[sflag:s10] =	ssyncset.done $0x0  }
0x54: {  	v7 =	vperm.xlane v5, v6;
	[sflag:s10] =	ssyncadd.s32 $0xFFFFE000  }
0x55: {  	_ =	swait.ge [sflag:s10], $0x2000  }
0x56: {  	v6 =	vshll.u32 v6, $0xD;
	v8 =	vand.u32 $0xFFFFFF80, v7;
	[sflag:s10] =	ssyncset.done $0x0  }
0x57: {  	s30 =	simm.s32 $0x1;
	v7 =	vand.u32 $0x7F, v7;
	v6 =	vadd.s32 v6, v8;
	[sflag:s10] =	ssyncadd.s32 $0xFFFFE000  }
0x58: {  	v6 =	vor.u32 v7, v6;
	v7 =	vmov s30;
	_ =	swait.ge [sflag:s10], $0x2000  }
0x59: {  	s31 =	simm.s32 $0x2;
	v8 =	vadd.s32 v1, v6;
	v9 =	vperm.xlane v5, v7;
	[sflag:s10] =	ssyncset.done $0x0  }
0x5a: {  	v15 =	vmov s31;
	v10 =	vadd.s32 v3, v6;
	v11 =	vadd.s32 v4, v6;
	[sflag:s10] =	ssyncadd.s32 $0xFFFFE000  }
0x5b: {  	v14 =	vadd.s32 v2, v6;
	v7 =	vshll.u32 v7, $0xD;
	v6 =	vand.u32 $0xFFFFFF80, v9;
	_ =	swait.ge [sflag:s10], $0x2000  }
0x5c: {  	v18 =	vperm.xlane v5, v15;
	v9 =	vand.u32 $0x7F, v9;
	v6 =	vadd.s32 v7, v6;
	[sflag:s10] =	ssyncset.done $0x0  }
0x5d: {  	v16 =	vor.u32 v9, v6;
	[sflag:s10] =	ssyncadd.s32 $0xFFFFE000  }
0x5e: {  	v15 =	vshll.u32 v15, $0xD;
	v19 =	vand.u32 $0xFFFFFF80, v18;
	v13 =	vadd.s32 v1, v16;
	v8 =	vld.idx.msk [tilespmem:v8+s11+$0x0], $0xffff  }
0x5f: {  	v18 =	vand.u32 $0x7F, v18;
	v19 =	vadd.s32 v15, v19;
	v17 =	vadd.s32 v4, v16;
	v6 =	vld.idx.msk [tilespmem:v11+s11+$0x0], $0xffff  }
0x60: {  	v15 =	vimm.f32 $0.0e+00;
	v7 =	vimm.f32 $0.0e+00;
	v12 =	vadd.s32 v2, v16;
	v11 =	vld.idx.msk [tilespmem:v14+s11+$0x0], $0xffff  }
0x61: {  	v9 =	vadd.s32 v3, v16;
	v16 =	vimm.f32 $0.0e+00;
	s14 =	simm.s32 $0x3;
	v14 =	vld.idx.msk [tilespmem:v10+s11+$0x0], $0xffff;
	v10 =	vimm.f32 $0.0e+00  }
.LBB2_5:
0x62: {  	p0 =	sne.s32 s14, $0x7;
	v18 =	vor.u32 v18, v19;
	s15 =	smov.u32 s14;
	s14 =	sadd.s32 $0x1, s14  }
.Ltmp2:
0x63: {  	v7 =	vadd.f32 v8, v7;
	v19 =	vmov s15;
	v8 =	vld.idx.msk [tilespmem:v13+s11+$0x0], $0xffff;
	v13 =	vadd.s32 v1, v18;
	(pc) =	sbr.rel @p0 .LBB2_5-.Ltmp2, $4  }
0x64: {  	v21 =	vadd.s32 v3, v18;
	v10 =	vadd.f32 v6, v10;
	v20 =	vperm.xlane v5, v19;
	v6 =	vld.idx.msk [tilespmem:v17+s11+$0x0], $0xffff  }
0x65: {  	v17 =	vadd.s32 v4, v18;
	v16 =	vadd.f32 v11, v16;
	v11 =	vld.idx.msk [tilespmem:v12+s11+$0x0], $0xffff;
	v12 =	vadd.s32 v2, v18  }
0x66: {  	v19 =	vshll.u32 v19, $0xD;
	v15 =	vadd.f32 v14, v15;
	v22 =	vand.u32 $0xFFFFFF80, v20;
	v14 =	vld.idx.msk [tilespmem:v9+s11+$0x0], $0xffff;
	v9 =	vmovc v21  }
0x67: {  	v18 =	vand.u32 $0x7F, v20;
	v19 =	vadd.s32 v19, v22  }
0x68: {  	_ =	sdelay $0x1  }
0x69: {  	v5 =	vor.u32 v18, v19  }
0x6a: {  	v18 =	vadd.s32 v1, v5  }
0x6b: {  	v13 =	vld.idx.msk [tilespmem:v13+s11+$0x0], $0xffff;
	v19 =	vadd.s32 v2, v5  }
0x6c: {  	v17 =	vld.idx.msk [tilespmem:v17+s11+$0x0], $0xffff;
	v20 =	vadd.s32 v3, v5  }
0x6d: {  	v12 =	vld.idx.msk [tilespmem:v12+s11+$0x0], $0xffff;
	v5 =	vadd.s32 v4, v5  }
0x6e: {  	v9 =	vld.idx.msk [tilespmem:v9+s11+$0x0], $0xffff  }
0x6f: {  	v18 =	vld.idx.msk [tilespmem:v18+s11+$0x0], $0xffff  }
0x70: {  	v7 =	vadd.f32 v8, v7;
	v61 =	vld.idx.msk [tilespmem:v19+s11+$0x0], $0xffff  }
0x71: {  	v11 =	vadd.f32 v11, v16;
	v62 =	vld.idx.msk [tilespmem:v20+s11+$0x0], $0xffff  }
0x72: {  	v14 =	vadd.f32 v14, v15;
	v7 =	vadd.f32 v13, v7;
	v5 =	vld.idx.msk [tilespmem:v5+s11+$0x0], $0xffff  }
0x73: {  	v6 =	vadd.f32 v6, v10;
	v63 =	vadd.f32 v12, v11  }
0x74: {  	v9 =	vadd.f32 v9, v14;
	v7 =	vadd.f32 v18, v7  }
0x75: {  	v6 =	vadd.f32 v17, v6;
	v8 =	vadd.f32 v61, v63  }
0x76: {  	v9 =	vadd.f32 v62, v9;
	[tilespmem:$0x10080] =	vst v7  }
0x77: {  	s13 =	sadd.s32 $0x1, s13;
	v5 =	vadd.f32 v5, v6;
	[tilespmem:$0x10090] =	vst v8  }
0x78: {  	p0 =	sne.s32 s13, s6;
	[tilespmem:$0x100A0] =	vst v9  }
.Ltmp3:
0x79: {  	[tilespmem:$0x100B0] =	vst v5;
	(pc) =	sbr.rel @p0 .LBB2_2-.Ltmp3, $4  }
0x7a: {  	[hbm4b:s4+s3] =	stream.linear.scatter [tilespmem:s12], [sflag:$0x2], $0x80, $0x38;
	[tilespmem:$0x10100] =	vst v63  }
0x7b: {  	_ =	swait.ge [sflag:s7], $0x80  }
0x7c: {  	[sflag:s7] =	ssyncset.done $0x0  }
0x7d: {  	[sflag:s7] =	ssyncadd.s32 $0xFFFFFF80  }
.LBB2_7:
0x7e: {  	_ =	sfence.sel $0x180000  }
0x7f: {  	[bflag:$0x0] =	sbarrier.arrive $0xFFFF  }
0x80: {  	p0 =	sne.s32 s0, $0x0;
	_ =	strace $0x90000047  }
0x81: {  	s0 =	sadd.s32 @!p0 $0x100000, s1;
	[bflag:$0x2] =	sbarrier.arrive $0xFFFF  }
0x82: {  	[sflag:s0] =	ssyncadd.tile.s32 @!p0 $0x1;
	_ =	shalt  }
.Lfunc_end2:
_tile_overlayer_lowered:
.L_overlay_start_2:
0x83: {  	(tag) =	ssettag $0x2  }
0x84: {  	s0 =	rddreg [dreg:$0x0];
	s2 =	stileid.u32  }
0x85: {  	s1 =	rddreg [dreg:$0x1];
	p0 =	sne.s32 s2, $0x0  }
0x86: {  	s3 =	rddreg [dreg:$0x2];
	[bflag:$0x3] =	sbarrier.arrive $0xFFFF;
	s2 =	simm.s32 @!p0 $0x1C02  }
0x87: {  	[timem:s3], [sflag:s2] =	dma.local @!p0 [hbm:s0], s1  }
0x88: {  	s0 =	simm.s32 @!p0 $0x2  }
0x89: {  	_ =	swait.ge @!p0 [sflag:s0], s1  }
0x8a: {  	s1 =	ssub.s32 @!p0 $0x0, s1;
	[sflag:s0] =	ssyncset.done @!p0 $0x0  }
0x8b: {  	[sflag:s0] =	ssyncadd.s32 @!p0 s1  }
0x8c: {  	[bflag:$0x3] =	sbarrier.arrive $0xFFFF  }
0x8d: {  	_ =	shalt  }

</sc_bundles>
